<compile_context>
chip_gen: v7x
topology: tpu7x:2x2x1
jax: 0.10.2.dev20260603
libtpu: 0.0.44.dev20260713+nightly
codegen_flags: <defaults>
</compile_context>

<pallas_src>
import functools

import jax
import jax.numpy as jnp
from jax import lax
from jax.experimental import pallas as pl
from jax.experimental.pallas import tpu as pltpu
from jax.experimental.pallas import tpu_sc as plsc

N = 10000
E = 320000
D = 128

NC = 2
NS = 16
NW = NC * NS

CHUNK = 80
EDGES_PER_W = E // NW
NCHUNK = 125
EDGES_PAD_W = NCHUNK * CHUNK
NPAD = 10112
ROWS_PER_TILE = NPAD // NS

@functools.cache
def _make_sc_aggregate():
    mesh = plsc.VectorSubcoreMesh(
        core_axis_name="c", subcore_axis_name="s", num_cores=NC,
        num_subcores=NS)
    return pl.kernel(
        _sc_aggregate_body,
        out_type=jax.ShapeDtypeStruct((NC, NPAD, D), jnp.float32),
        mesh=mesh,
        scratch_types=[
            pltpu.VMEM((EDGES_PAD_W,), jnp.int32),
            pltpu.VMEM((NCHUNK, CHUNK), jnp.int32),
            pltpu.VMEM((CHUNK, D), jnp.float32),
            pltpu.VMEM((CHUNK, D), jnp.float32),
            pltpu.VMEM_SHARED((NPAD, D), jnp.float32),
            pltpu.SemaphoreType.DMA,
            pltpu.SemaphoreType.DMA,
            pltpu.SemaphoreType.DMA,
            pltpu.SemaphoreType.DMA,
        ],
    )


def _sc_aggregate_body(x_hbm, src_hbm, dst_hbm, zero_hbm, out_hbm,
                       src_v, dst_v, rows0, rows1, agg_sh,
                       gsem0, gsem1, ssem0, ssem1):
    c = lax.axis_index("c")
    s = lax.axis_index("s")
    wid = s * NC + c

    pltpu.sync_copy(zero_hbm.at[pl.ds(s * ROWS_PER_TILE, ROWS_PER_TILE)],
                    agg_sh.at[pl.ds(s * ROWS_PER_TILE, ROWS_PER_TILE)])
    pltpu.sync_copy(src_hbm.at[wid], src_v)
    pltpu.sync_copy(dst_hbm.at[wid], dst_v)
    plsc.subcore_barrier()

    def gidx(i):
        return src_v.at[pl.ds(pl.multiple_of(i * CHUNK, 8), CHUNK)]

    pltpu.async_copy(x_hbm.at[gidx(0)], rows0, gsem0)

    def pair(t, carry):
        i0 = 2 * t
        i1 = i0 + 1
        pltpu.make_async_copy(x_hbm.at[gidx(i0)], rows0, gsem0).wait()

        @pl.when(t > 0)
        def _():
            pltpu.make_async_copy(rows1, agg_sh.at[dst_v.at[i1]],
                                  ssem1).wait()

        pltpu.async_copy(x_hbm.at[gidx(i1)], rows1, gsem1)
        pltpu.async_copy(rows0, agg_sh.at[dst_v.at[i0]], ssem0, add=True)
        pltpu.make_async_copy(x_hbm.at[gidx(i1)], rows1, gsem1).wait()
        pltpu.make_async_copy(rows0, agg_sh.at[dst_v.at[i0]], ssem0).wait()

        @pl.when(i0 + 2 < NCHUNK)
        def _():
            pltpu.async_copy(x_hbm.at[gidx(i0 + 2)], rows0, gsem0)

        pltpu.async_copy(rows1, agg_sh.at[dst_v.at[i1]], ssem1, add=True)
        return carry

    lax.fori_loop(0, NCHUNK // 2, pair, 0)
    if NCHUNK % 2:
        pltpu.make_async_copy(x_hbm.at[gidx(NCHUNK - 1)], rows0,
                              gsem0).wait()
        pltpu.sync_copy(rows0, agg_sh.at[dst_v.at[NCHUNK - 1]], add=True)
        pltpu.make_async_copy(rows1, agg_sh.at[dst_v.at[NCHUNK - 2]],
                              ssem1).wait()
    else:
        pltpu.make_async_copy(rows1, agg_sh.at[dst_v.at[NCHUNK - 1]],
                              ssem1).wait()
    plsc.subcore_barrier()

    pltpu.sync_copy(agg_sh.at[pl.ds(s * ROWS_PER_TILE, ROWS_PER_TILE)],
                    out_hbm.at[c, pl.ds(s * ROWS_PER_TILE, ROWS_PER_TILE)])


BN = 2000
NB = N // BN


def _tc_body(eps_sm, x_b, a0_b, a1_b, W1_b, b1_b, W2_b, b2_b, g_b, be_b,
             out_b, h2_sc, sum_sc, sq_sc, scale_sc, off_sc):
    p = pl.program_id(0)
    i = pl.program_id(1)

    @pl.when(p == 0)
    def _():
        m = (1.0 + eps_sm[0]) * x_b[...] + a0_b[0] + a1_b[0]
        h1 = jnp.maximum(
            jnp.dot(m, W1_b[...], preferred_element_type=jnp.float32) + b1_b[...],
            0.0)
        h2 = jnp.dot(h1, W2_b[...], preferred_element_type=jnp.float32) + b2_b[...]

        @pl.when(i == 0)
        def _():
            sum_sc[...] = jnp.zeros_like(sum_sc)
            sq_sc[...] = jnp.zeros_like(sq_sc)

        sum_sc[...] += jnp.sum(h2, axis=0, keepdims=True)
        sq_sc[...] += jnp.sum(h2 * h2, axis=0, keepdims=True)
        h2_sc[pl.ds(i * BN, BN), :] = h2

    @pl.when(p == 1)
    def _():
        @pl.when(i == 0)
        def _():
            mean = sum_sc[...] * (1.0 / N)
            var = sq_sc[...] * (1.0 / N) - mean * mean
            sc = lax.rsqrt(var + 1e-5) * g_b[...]
            scale_sc[...] = sc
            off_sc[...] = be_b[...] - mean * sc

        h2 = h2_sc[pl.ds(i * BN, BN), :]
        out_b[...] = jnp.maximum(h2 * scale_sc[...] + off_sc[...], 0.0)


def _row_map(p, i):
    return (jnp.where(p == 0, i, 0), 0)


def _tc_mlp_bn(x, agg2, W1, b1, W2, b2, eps, gamma, beta):
    vec = lambda v: v.reshape(1, D)
    a_map = lambda core: (lambda p, i: (core, jnp.where(p == 0, i, 0), 0))
    return pl.pallas_call(
        _tc_body,
        grid=(2, NB),
        in_specs=[
            pl.BlockSpec(memory_space=pltpu.SMEM),
            pl.BlockSpec((BN, D), _row_map),
            pl.BlockSpec((1, BN, D), a_map(0)),
            pl.BlockSpec((1, BN, D), a_map(1)),
            pl.BlockSpec((D, D), lambda p, i: (0, 0)),
            pl.BlockSpec((1, D), lambda p, i: (0, 0)),
            pl.BlockSpec((D, D), lambda p, i: (0, 0)),
            pl.BlockSpec((1, D), lambda p, i: (0, 0)),
            pl.BlockSpec((1, D), lambda p, i: (0, 0)),
            pl.BlockSpec((1, D), lambda p, i: (0, 0)),
        ],
        out_specs=pl.BlockSpec((BN, D),
                               lambda p, i: (jnp.where(p == 0, 0, i), 0)),
        out_shape=jax.ShapeDtypeStruct((N, D), jnp.float32),
        scratch_shapes=[
            pltpu.VMEM((N, D), jnp.float32),
            pltpu.VMEM((1, D), jnp.float32),
            pltpu.VMEM((1, D), jnp.float32),
            pltpu.VMEM((1, D), jnp.float32),
            pltpu.VMEM((1, D), jnp.float32),
        ],
    )(eps.reshape(1), x, agg2, agg2, W1, vec(b1), W2, vec(b2), vec(gamma),
      vec(beta))


def kernel(x, edge_index, W1, b1, W2, b2, eps, gamma, beta):
    npad_e = EDGES_PAD_W - EDGES_PER_W
    ei = edge_index.reshape(2, NW, EDGES_PER_W)
    if npad_e:
        src = jnp.concatenate(
            [ei[0], jnp.zeros((NW, npad_e), jnp.int32)], axis=1)
        dst = jnp.concatenate(
            [ei[1], jnp.full((NW, npad_e), N, jnp.int32)], axis=1)
    else:
        src, dst = ei[0], ei[1]
    dst = dst.reshape(NW, NCHUNK, CHUNK)
    zero = jnp.zeros((NPAD, D), jnp.float32)
    agg2 = _make_sc_aggregate()(x, src, dst, zero)
    return _tc_mlp_bn(x, agg2, W1, b1, W2, b2,
                      eps.astype(jnp.float32), gamma, beta)

# --- scband reference (transcript-rebuilt; emitter-appended) ---
"""Pipeline reference for scband-ginblock-46574625358292 (READ-ONLY COPY).

The authoritative reference and input builder live on the scoring server;
editing this copy changes nothing except your own understanding.
"""

import jax, jax.numpy as jnp
import numpy as np

N = 10000
E = 320000
D = 128


def setup_inputs(seed: int = 0) -> dict:
    key = jax.random.key(seed)
    ks = jax.random.split(key, 8)
    x = jax.random.normal(ks[0], (N, D), dtype=jnp.float32)
    edge_index = jax.random.randint(ks[1], (2, E), 0, N, dtype=jnp.int32)
    scale1 = 1.0 / np.sqrt(D)
    W1 = jax.random.normal(ks[2], (D, D), dtype=jnp.float32) * scale1
    b1 = jnp.zeros((D,), dtype=jnp.float32)
    W2 = jax.random.normal(ks[3], (D, D), dtype=jnp.float32) * scale1
    b2 = jnp.zeros((D,), dtype=jnp.float32)
    eps = jnp.float32(0.0)
    gamma = jnp.ones((D,), dtype=jnp.float32)
    beta = jnp.zeros((D,), dtype=jnp.float32)
    return {"x": x, "edge_index": edge_index, "W1": W1, "b1": b1, "W2": W2, "b2": b2, "eps": eps, "gamma": gamma, "beta": beta}


def reference(x, edge_index, W1, b1, W2, b2, eps, gamma, beta):
    # GINConv: out_i = MLP((1+eps)*x_i + sum_{j in N(i)} x_j)
    src = edge_index[0]
    dst = edge_index[1]
    agg = jnp.zeros_like(x).at[dst].add(x[src])
    h = (1.0 + eps) * x + agg
    # MLP: Linear -> ReLU -> Linear
    h = jnp.maximum(h @ W1 + b1, 0.0)
    h = h @ W2 + b2
    # BatchNorm1d (training mode: batch statistics over nodes)
    mean = jnp.mean(h, axis=0)
    var = jnp.var(h, axis=0)
    h = (h - mean) / jnp.sqrt(var + 1e-5) * gamma + beta
    # final ReLU
    return jnp.maximum(h, 0.0)

if __name__ == "__main__":
    import jax
    _d = setup_inputs()
    print(jax.jit(kernel)(*tuple(_d.values())))

</pallas_src>

<mosaic_0001>
#map = affine_map<(d0, d1) -> (0, 0)>
#map1 = affine_map<(d0, d1) -> (0, 0, 0)>
module attributes {stable_mosaic.version = 14 : i64} {
  func.func @_sc_aggregate_body(%arg0: i32, %arg1: i32, %arg2: memref<10000x128xf32, #tpu.memory_space<hbm>>, %arg3: memref<32x10000xi32, #tpu.memory_space<hbm>>, %arg4: memref<32x125x80xi32, #tpu.memory_space<hbm>>, %arg5: memref<10112x128xf32, #tpu.memory_space<hbm>>, %arg6: memref<2x10112x128xf32, #tpu.memory_space<hbm>>, %arg7: memref<10000xi32, #tpu.memory_space<vmem>>, %arg8: memref<125x80xi32, #tpu.memory_space<vmem>>, %arg9: memref<80x128xf32, #tpu.memory_space<vmem>>, %arg10: memref<80x128xf32, #tpu.memory_space<vmem>>, %arg11: memref<10112x128xf32, #tpu.memory_space<vmem_shared>>, %arg12: memref<!tpu.dma_semaphore, #tpu.memory_space<semaphore_mem>>, %arg13: memref<!tpu.dma_semaphore, #tpu.memory_space<semaphore_mem>>, %arg14: memref<!tpu.dma_semaphore, #tpu.memory_space<semaphore_mem>>, %arg15: memref<!tpu.dma_semaphore, #tpu.memory_space<semaphore_mem>>) attributes {dimension_semantics = [#tpu.dimension_semantics<core_parallel>, #tpu.dimension_semantics<subcore_parallel>], iteration_bounds = array<i64: 2, 16>, scalar_prefetch = 0 : i64, scratch_operands = 9 : i64, tpu.core_type = #tpu.core_type<sc_vector_subcore>, window_params = [{transform_indices = #map}, {transform_indices = #map}, {transform_indices = #map1}, {transform_indices = #map}, {transform_indices = #map1}]} {
    %mul3A = arith.constant 2 : i32
    %mul3A_0 = arith.muli %arg1, %mul3A : i32
    %add3A = arith.addi %mul3A_0, %arg0 : i32
    %mul3A_1 = arith.constant 632 : i32
    %mul3A_2 = arith.muli %arg1, %mul3A_1 : i32
    %mul3A_3 = arith.constant 632 : i32
    %mul3A_4 = arith.muli %arg1, %mul3A_3 : i32
    "tpu.region"() ({
      %run_scoped3A_31 = tpu.sem_alloc : memref<!tpu.dma_semaphore, #tpu.memory_space<semaphore_mem>>
      %dma_start3A_32 = arith.constant 0 : i32
      %dma_start3A_33 = tpu.memref_slice %arg11[%mul3A_4, %dma_start3A_32] : memref<10112x128xf32, #tpu.memory_space<vmem_shared>> -> memref<632x128xf32, #tpu.memory_space<vmem_shared>>
      %dma_start3A_34 = arith.constant 0 : i32
      %dma_start3A_35 = tpu.memref_slice %arg5[%mul3A_2, %dma_start3A_34] : memref<10112x128xf32, #tpu.memory_space<hbm>> -> memref<632x128xf32, #tpu.memory_space<hbm>>
      tpu.enqueue_dma source(%dma_start3A_35 : memref<632x128xf32, #tpu.memory_space<hbm>>) target(%dma_start3A_33 : memref<632x128xf32, #tpu.memory_space<vmem_shared>>) target_semaphore(%run_scoped3A_31 : memref<!tpu.dma_semaphore, #tpu.memory_space<semaphore_mem>>)
      %dma_wait3A_36 = arith.constant 0 : i32
      %dma_wait3A_37 = tpu.memref_slice %arg11[%mul3A_4, %dma_wait3A_36] : memref<10112x128xf32, #tpu.memory_space<vmem_shared>> -> memref<632x128xf32, #tpu.memory_space<vmem_shared>>
      %dma_wait3A_38 = arith.constant 0 : i32
      %dma_wait3A_39 = tpu.memref_slice %arg5[%mul3A_2, %dma_wait3A_38] : memref<10112x128xf32, #tpu.memory_space<hbm>> -> memref<632x128xf32, #tpu.memory_space<hbm>>
      tpu.wait_dma2 semaphore(%run_scoped3A_31 : memref<!tpu.dma_semaphore, #tpu.memory_space<semaphore_mem>>) src(%dma_wait3A_39 : memref<632x128xf32, #tpu.memory_space<hbm>>) dst(%dma_wait3A_37 : memref<632x128xf32, #tpu.memory_space<vmem_shared>>)
      tpu.yield
    }) : () -> ()
    "tpu.region"() ({
      %run_scoped3A_31 = tpu.sem_alloc : memref<!tpu.dma_semaphore, #tpu.memory_space<semaphore_mem>>
      %dma_start3A_32 = arith.constant 0 : i32
      %dma_start3A_33 = tpu.memref_slice %arg3[%add3A, %dma_start3A_32] : memref<32x10000xi32, #tpu.memory_space<hbm>> -> memref<1x10000xi32, #tpu.memory_space<hbm>>
      %dma_start3A_34 = tpu.memref_squeeze %dma_start3A_33 : memref<1x10000xi32, #tpu.memory_space<hbm>> -> memref<10000xi32, #tpu.memory_space<hbm>>
      %dma_start3A_35 = arith.constant 0 : i32
      %dma_start3A_36 = tpu.memref_slice %arg3[%add3A, %dma_start3A_35] : memref<32x10000xi32, #tpu.memory_space<hbm>> -> memref<1x10000xi32, #tpu.memory_space<hbm>>
      %dma_start3A_37 = tpu.memref_squeeze %dma_start3A_36 : memref<1x10000xi32, #tpu.memory_space<hbm>> -> memref<10000xi32, #tpu.memory_space<hbm>>
      tpu.enqueue_dma source(%dma_start3A_37 : memref<10000xi32, #tpu.memory_space<hbm>>) target(%arg7 : memref<10000xi32, #tpu.memory_space<vmem>>) target_semaphore(%run_scoped3A_31 : memref<!tpu.dma_semaphore, #tpu.memory_space<semaphore_mem>>)
      %dma_wait3A_38 = arith.constant 0 : i32
      %dma_wait3A_39 = tpu.memref_slice %arg3[%add3A, %dma_wait3A_38] : memref<32x10000xi32, #tpu.memory_space<hbm>> -> memref<1x10000xi32, #tpu.memory_space<hbm>>
      %dma_wait3A_40 = tpu.memref_squeeze %dma_wait3A_39 : memref<1x10000xi32, #tpu.memory_space<hbm>> -> memref<10000xi32, #tpu.memory_space<hbm>>
      %dma_wait3A_41 = arith.constant 0 : i32
      %dma_wait3A_42 = tpu.memref_slice %arg3[%add3A, %dma_wait3A_41] : memref<32x10000xi32, #tpu.memory_space<hbm>> -> memref<1x10000xi32, #tpu.memory_space<hbm>>
      %dma_wait3A_43 = tpu.memref_squeeze %dma_wait3A_42 : memref<1x10000xi32, #tpu.memory_space<hbm>> -> memref<10000xi32, #tpu.memory_space<hbm>>
      tpu.wait_dma2 semaphore(%run_scoped3A_31 : memref<!tpu.dma_semaphore, #tpu.memory_space<semaphore_mem>>) src(%dma_wait3A_43 : memref<10000xi32, #tpu.memory_space<hbm>>) dst(%arg7 : memref<10000xi32, #tpu.memory_space<vmem>>)
      tpu.yield
    }) : () -> ()
    "tpu.region"() ({
      %run_scoped3A_31 = tpu.sem_alloc : memref<!tpu.dma_semaphore, #tpu.memory_space<semaphore_mem>>
      %dma_start3A_32 = arith.constant 0 : i32
      %dma_start3A_33 = arith.constant 0 : i32
      %dma_start3A_34 = tpu.memref_slice %arg4[%add3A, %dma_start3A_32, %dma_start3A_33] : memref<32x125x80xi32, #tpu.memory_space<hbm>> -> memref<1x125x80xi32, #tpu.memory_space<hbm>>
      %dma_start3A_35 = tpu.memref_squeeze %dma_start3A_34 : memref<1x125x80xi32, #tpu.memory_space<hbm>> -> memref<125x80xi32, #tpu.memory_space<hbm>>
      %dma_start3A_36 = arith.constant 0 : i32
      %dma_start3A_37 = arith.constant 0 : i32
      %dma_start3A_38 = tpu.memref_slice %arg4[%add3A, %dma_start3A_36, %dma_start3A_37] : memref<32x125x80xi32, #tpu.memory_space<hbm>> -> memref<1x125x80xi32, #tpu.memory_space<hbm>>
      %dma_start3A_39 = tpu.memref_squeeze %dma_start3A_38 : memref<1x125x80xi32, #tpu.memory_space<hbm>> -> memref<125x80xi32, #tpu.memory_space<hbm>>
      tpu.enqueue_dma source(%dma_start3A_39 : memref<125x80xi32, #tpu.memory_space<hbm>>) target(%arg8 : memref<125x80xi32, #tpu.memory_space<vmem>>) target_semaphore(%run_scoped3A_31 : memref<!tpu.dma_semaphore, #tpu.memory_space<semaphore_mem>>)
      %dma_wait3A_40 = arith.constant 0 : i32
      %dma_wait3A_41 = arith.constant 0 : i32
      %dma_wait3A_42 = tpu.memref_slice %arg4[%add3A, %dma_wait3A_40, %dma_wait3A_41] : memref<32x125x80xi32, #tpu.memory_space<hbm>> -> memref<1x125x80xi32, #tpu.memory_space<hbm>>
      %dma_wait3A_43 = tpu.memref_squeeze %dma_wait3A_42 : memref<1x125x80xi32, #tpu.memory_space<hbm>> -> memref<125x80xi32, #tpu.memory_space<hbm>>
      %dma_wait3A_44 = arith.constant 0 : i32
      %dma_wait3A_45 = arith.constant 0 : i32
      %dma_wait3A_46 = tpu.memref_slice %arg4[%add3A, %dma_wait3A_44, %dma_wait3A_45] : memref<32x125x80xi32, #tpu.memory_space<hbm>> -> memref<1x125x80xi32, #tpu.memory_space<hbm>>
      %dma_wait3A_47 = tpu.memref_squeeze %dma_wait3A_46 : memref<1x125x80xi32, #tpu.memory_space<hbm>> -> memref<125x80xi32, #tpu.memory_space<hbm>>
      tpu.wait_dma2 semaphore(%run_scoped3A_31 : memref<!tpu.dma_semaphore, #tpu.memory_space<semaphore_mem>>) src(%dma_wait3A_47 : memref<125x80xi32, #tpu.memory_space<hbm>>) dst(%arg8 : memref<125x80xi32, #tpu.memory_space<vmem>>)
      tpu.yield
    }) : () -> ()
    %barrier3A = arith.constant 0 : index
    tpu.barrier barrier_id(%barrier3A)
    %multiple_of3A = arith.constant 0 : i32
    %multiple_of3A_5 = tpu.assume_multiple %multiple_of3A, 8 : i32
    %dma_start3A = tpu.memref_slice %arg7[%multiple_of3A_5] : memref<10000xi32, #tpu.memory_space<vmem>> -> memref<80xi32, #tpu.memory_space<vmem>>
    %dma_start3A_6 = arith.constant 0 : i32
    %dma_start3A_7 = arith.constant 0 : i32
    %dma_start3A_8 = tpu.memref_slice %arg2[%dma_start3A_6, %dma_start3A_7] : memref<10000x128xf32, #tpu.memory_space<hbm>> -> memref<10000x128xf32, #tpu.memory_space<hbm>>
    tpu.enqueue_indirect_dma source(%dma_start3A_8 : memref<10000x128xf32, #tpu.memory_space<hbm>>) target(%arg9 : memref<80x128xf32, #tpu.memory_space<vmem>>) offsets(%dma_start3A : memref<80xi32, #tpu.memory_space<vmem>>) semaphore(%arg12 : memref<!tpu.dma_semaphore, #tpu.memory_space<semaphore_mem>>)
    %scan3A = arith.constant 0 : i32
    %scan3A_9 = arith.constant 0 : i32
    %scan3A_10 = arith.constant 62 : i32
    %scan3A_11 = arith.addi %scan3A_9, %scan3A_10 : i32
    %scan3A_12 = arith.constant 1 : i32
    scf.for %scan3A_31 = %scan3A_9 to %scan3A_11 step %scan3A_12  : i32 {
      %mul3A_32 = arith.constant 2 : i32
      %mul3A_33 = arith.muli %mul3A_32, %scan3A_31 : i32
      %add3A_34 = arith.constant 1 : i32
      %add3A_35 = arith.addi %mul3A_33, %add3A_34 : i32
      %mul3A_36 = arith.constant 80 : i32
      %mul3A_37 = arith.muli %mul3A_33, %mul3A_36 : i32
      %multiple_of3A_38 = tpu.assume_multiple %mul3A_37, 8 : i32
      %dma_wait3A_39 = tpu.memref_slice %arg7[%multiple_of3A_38] : memref<10000xi32, #tpu.memory_space<vmem>> -> memref<80xi32, #tpu.memory_space<vmem>>
      %dma_wait3A_40 = arith.constant 0 : i32
      %dma_wait3A_41 = arith.constant 0 : i32
      %dma_wait3A_42 = tpu.memref_slice %arg2[%dma_wait3A_40, %dma_wait3A_41] : memref<10000x128xf32, #tpu.memory_space<hbm>> -> memref<10000x128xf32, #tpu.memory_space<hbm>>
      tpu.wait_indirect_dma semaphore(%arg12 : memref<!tpu.dma_semaphore, #tpu.memory_space<semaphore_mem>>) src(%dma_wait3A_42 : memref<10000x128xf32, #tpu.memory_space<hbm>>) dst(%arg9 : memref<80x128xf32, #tpu.memory_space<vmem>>)
      %gt3A = arith.constant 0 : i32
      %gt3A_43 = arith.cmpi sgt, %scan3A_31, %gt3A : i32
      %convert_element_type3A = arith.extui %gt3A_43 : i1 to i32
      %cond3A = arith.constant 0 : i32
      %cond3A_44 = arith.cmpi ne, %convert_element_type3A, %cond3A : i32
      scf.if %cond3A_44 {
        %dma_wait3A_83 = arith.constant 0 : i32
        %dma_wait3A_84 = tpu.memref_slice %arg8[%add3A_35, %dma_wait3A_83] : memref<125x80xi32, #tpu.memory_space<vmem>> -> memref<1x80xi32, #tpu.memory_space<vmem>>
        %dma_wait3A_85 = tpu.memref_squeeze %dma_wait3A_84 : memref<1x80xi32, #tpu.memory_space<vmem>> -> memref<80xi32, #tpu.memory_space<vmem>>
        %dma_wait3A_86 = arith.constant 0 : i32
        %dma_wait3A_87 = arith.constant 0 : i32
        %dma_wait3A_88 = tpu.memref_slice %arg11[%dma_wait3A_86, %dma_wait3A_87] : memref<10112x128xf32, #tpu.memory_space<vmem_shared>> -> memref<10112x128xf32, #tpu.memory_space<vmem_shared>>
        tpu.wait_indirect_dma semaphore(%arg15 : memref<!tpu.dma_semaphore, #tpu.memory_space<semaphore_mem>>) src(%arg10 : memref<80x128xf32, #tpu.memory_space<vmem>>) dst(%dma_wait3A_88 : memref<10112x128xf32, #tpu.memory_space<vmem_shared>>)
      } else {
      }
      %mul3A_45 = arith.constant 80 : i32
      %mul3A_46 = arith.muli %add3A_35, %mul3A_45 : i32
      %multiple_of3A_47 = tpu.assume_multiple %mul3A_46, 8 : i32
      %dma_start3A_48 = tpu.memref_slice %arg7[%multiple_of3A_47] : memref<10000xi32, #tpu.memory_space<vmem>> -> memref<80xi32, #tpu.memory_space<vmem>>
      %dma_start3A_49 = arith.constant 0 : i32
      %dma_start3A_50 = arith.constant 0 : i32
      %dma_start3A_51 = tpu.memref_slice %arg2[%dma_start3A_49, %dma_start3A_50] : memref<10000x128xf32, #tpu.memory_space<hbm>> -> memref<10000x128xf32, #tpu.memory_space<hbm>>
      tpu.enqueue_indirect_dma source(%dma_start3A_51 : memref<10000x128xf32, #tpu.memory_space<hbm>>) target(%arg10 : memref<80x128xf32, #tpu.memory_space<vmem>>) offsets(%dma_start3A_48 : memref<80xi32, #tpu.memory_space<vmem>>) semaphore(%arg13 : memref<!tpu.dma_semaphore, #tpu.memory_space<semaphore_mem>>)
      %dma_start3A_52 = arith.constant 0 : i32
      %dma_start3A_53 = tpu.memref_slice %arg8[%mul3A_33, %dma_start3A_52] : memref<125x80xi32, #tpu.memory_space<vmem>> -> memref<1x80xi32, #tpu.memory_space<vmem>>
      %dma_start3A_54 = tpu.memref_squeeze %dma_start3A_53 : memref<1x80xi32, #tpu.memory_space<vmem>> -> memref<80xi32, #tpu.memory_space<vmem>>
      %dma_start3A_55 = arith.constant 0 : i32
      %dma_start3A_56 = arith.constant 0 : i32
      %dma_start3A_57 = tpu.memref_slice %arg11[%dma_start3A_55, %dma_start3A_56] : memref<10112x128xf32, #tpu.memory_space<vmem_shared>> -> memref<10112x128xf32, #tpu.memory_space<vmem_shared>>
      tpu.enqueue_indirect_dma source(%arg9 : memref<80x128xf32, #tpu.memory_space<vmem>>) target(%dma_start3A_57 : memref<10112x128xf32, #tpu.memory_space<vmem_shared>>) offsets(%dma_start3A_54 : memref<80xi32, #tpu.memory_space<vmem>>) semaphore(%arg14 : memref<!tpu.dma_semaphore, #tpu.memory_space<semaphore_mem>>) {add = true}
      %mul3A_58 = arith.constant 80 : i32
      %mul3A_59 = arith.muli %add3A_35, %mul3A_58 : i32
      %multiple_of3A_60 = tpu.assume_multiple %mul3A_59, 8 : i32
      %dma_wait3A_61 = tpu.memref_slice %arg7[%multiple_of3A_60] : memref<10000xi32, #tpu.memory_space<vmem>> -> memref<80xi32, #tpu.memory_space<vmem>>
      %dma_wait3A_62 = arith.constant 0 : i32
      %dma_wait3A_63 = arith.constant 0 : i32
      %dma_wait3A_64 = tpu.memref_slice %arg2[%dma_wait3A_62, %dma_wait3A_63] : memref<10000x128xf32, #tpu.memory_space<hbm>> -> memref<10000x128xf32, #tpu.memory_space<hbm>>
      tpu.wait_indirect_dma semaphore(%arg13 : memref<!tpu.dma_semaphore, #tpu.memory_space<semaphore_mem>>) src(%dma_wait3A_64 : memref<10000x128xf32, #tpu.memory_space<hbm>>) dst(%arg10 : memref<80x128xf32, #tpu.memory_space<vmem>>)
      %dma_wait3A_65 = arith.constant 0 : i32
      %dma_wait3A_66 = tpu.memref_slice %arg8[%mul3A_33, %dma_wait3A_65] : memref<125x80xi32, #tpu.memory_space<vmem>> -> memref<1x80xi32, #tpu.memory_space<vmem>>
      %dma_wait3A_67 = tpu.memref_squeeze %dma_wait3A_66 : memref<1x80xi32, #tpu.memory_space<vmem>> -> memref<80xi32, #tpu.memory_space<vmem>>
      %dma_wait3A_68 = arith.constant 0 : i32
      %dma_wait3A_69 = arith.constant 0 : i32
      %dma_wait3A_70 = tpu.memref_slice %arg11[%dma_wait3A_68, %dma_wait3A_69] : memref<10112x128xf32, #tpu.memory_space<vmem_shared>> -> memref<10112x128xf32, #tpu.memory_space<vmem_shared>>
      tpu.wait_indirect_dma semaphore(%arg14 : memref<!tpu.dma_semaphore, #tpu.memory_space<semaphore_mem>>) src(%arg9 : memref<80x128xf32, #tpu.memory_space<vmem>>) dst(%dma_wait3A_70 : memref<10112x128xf32, #tpu.memory_space<vmem_shared>>)
      %add3A_71 = arith.constant 2 : i32
      %add3A_72 = arith.addi %mul3A_33, %add3A_71 : i32
      %lt3A = arith.constant 125 : i32
      %lt3A_73 = arith.cmpi slt, %add3A_72, %lt3A : i32
      %convert_element_type3A_74 = arith.extui %lt3A_73 : i1 to i32
      %cond3A_75 = arith.constant 0 : i32
      %cond3A_76 = arith.cmpi ne, %convert_element_type3A_74, %cond3A_75 : i32
      scf.if %cond3A_76 {
        %add3A_83 = arith.constant 2 : i32
        %add3A_84 = arith.addi %mul3A_33, %add3A_83 : i32
        %mul3A_85 = arith.constant 80 : i32
        %mul3A_86 = arith.muli %add3A_84, %mul3A_85 : i32
        %multiple_of3A_87 = tpu.assume_multiple %mul3A_86, 8 : i32
        %dma_start3A_88 = tpu.memref_slice %arg7[%multiple_of3A_87] : memref<10000xi32, #tpu.memory_space<vmem>> -> memref<80xi32, #tpu.memory_space<vmem>>
        %dma_start3A_89 = arith.constant 0 : i32
        %dma_start3A_90 = arith.constant 0 : i32
        %dma_start3A_91 = tpu.memref_slice %arg2[%dma_start3A_89, %dma_start3A_90] : memref<10000x128xf32, #tpu.memory_space<hbm>> -> memref<10000x128xf32, #tpu.memory_space<hbm>>
        tpu.enqueue_indirect_dma source(%dma_start3A_91 : memref<10000x128xf32, #tpu.memory_space<hbm>>) target(%arg9 : memref<80x128xf32, #tpu.memory_space<vmem>>) offsets(%dma_start3A_88 : memref<80xi32, #tpu.memory_space<vmem>>) semaphore(%arg12 : memref<!tpu.dma_semaphore, #tpu.memory_space<semaphore_mem>>)
      } else {
      }
      %dma_start3A_77 = arith.constant 0 : i32
      %dma_start3A_78 = tpu.memref_slice %arg8[%add3A_35, %dma_start3A_77] : memref<125x80xi32, #tpu.memory_space<vmem>> -> memref<1x80xi32, #tpu.memory_space<vmem>>
      %dma_start3A_79 = tpu.memref_squeeze %dma_start3A_78 : memref<1x80xi32, #tpu.memory_space<vmem>> -> memref<80xi32, #tpu.memory_space<vmem>>
      %dma_start3A_80 = arith.constant 0 : i32
      %dma_start3A_81 = arith.constant 0 : i32
      %dma_start3A_82 = tpu.memref_slice %arg11[%dma_start3A_80, %dma_start3A_81] : memref<10112x128xf32, #tpu.memory_space<vmem_shared>> -> memref<10112x128xf32, #tpu.memory_space<vmem_shared>>
      tpu.enqueue_indirect_dma source(%arg10 : memref<80x128xf32, #tpu.memory_space<vmem>>) target(%dma_start3A_82 : memref<10112x128xf32, #tpu.memory_space<vmem_shared>>) offsets(%dma_start3A_79 : memref<80xi32, #tpu.memory_space<vmem>>) semaphore(%arg15 : memref<!tpu.dma_semaphore, #tpu.memory_space<semaphore_mem>>) {add = true}
    }
    %scan3A_13 = arith.constant 62 : i32
    %multiple_of3A_14 = arith.constant 9920 : i32
    %multiple_of3A_15 = tpu.assume_multiple %multiple_of3A_14, 8 : i32
    %dma_wait3A = tpu.memref_slice %arg7[%multiple_of3A_15] : memref<10000xi32, #tpu.memory_space<vmem>> -> memref<80xi32, #tpu.memory_space<vmem>>
    %dma_wait3A_16 = arith.constant 0 : i32
    %dma_wait3A_17 = arith.constant 0 : i32
    %dma_wait3A_18 = tpu.memref_slice %arg2[%dma_wait3A_16, %dma_wait3A_17] : memref<10000x128xf32, #tpu.memory_space<hbm>> -> memref<10000x128xf32, #tpu.memory_space<hbm>>
    tpu.wait_indirect_dma semaphore(%arg12 : memref<!tpu.dma_semaphore, #tpu.memory_space<semaphore_mem>>) src(%dma_wait3A_18 : memref<10000x128xf32, #tpu.memory_space<hbm>>) dst(%arg9 : memref<80x128xf32, #tpu.memory_space<vmem>>)
    %run_scoped3A = arith.constant 124 : i32
    "tpu.region"() ({
      %run_scoped3A_31 = tpu.sem_alloc : memref<!tpu.dma_semaphore, #tpu.memory_space<semaphore_mem>>
      %dma_start3A_32 = arith.constant 0 : i32
      %dma_start3A_33 = tpu.memref_slice %arg8[%run_scoped3A, %dma_start3A_32] : memref<125x80xi32, #tpu.memory_space<vmem>> -> memref<1x80xi32, #tpu.memory_space<vmem>>
      %dma_start3A_34 = tpu.memref_squeeze %dma_start3A_33 : memref<1x80xi32, #tpu.memory_space<vmem>> -> memref<80xi32, #tpu.memory_space<vmem>>
      %dma_start3A_35 = arith.constant 0 : i32
      %dma_start3A_36 = arith.constant 0 : i32
      %dma_start3A_37 = tpu.memref_slice %arg11[%dma_start3A_35, %dma_start3A_36] : memref<10112x128xf32, #tpu.memory_space<vmem_shared>> -> memref<10112x128xf32, #tpu.memory_space<vmem_shared>>
      tpu.enqueue_indirect_dma source(%arg9 : memref<80x128xf32, #tpu.memory_space<vmem>>) target(%dma_start3A_37 : memref<10112x128xf32, #tpu.memory_space<vmem_shared>>) offsets(%dma_start3A_34 : memref<80xi32, #tpu.memory_space<vmem>>) semaphore(%run_scoped3A_31 : memref<!tpu.dma_semaphore, #tpu.memory_space<semaphore_mem>>) {add = true}
      %dma_wait3A_38 = arith.constant 0 : i32
      %dma_wait3A_39 = tpu.memref_slice %arg8[%run_scoped3A, %dma_wait3A_38] : memref<125x80xi32, #tpu.memory_space<vmem>> -> memref<1x80xi32, #tpu.memory_space<vmem>>
      %dma_wait3A_40 = tpu.memref_squeeze %dma_wait3A_39 : memref<1x80xi32, #tpu.memory_space<vmem>> -> memref<80xi32, #tpu.memory_space<vmem>>
      %dma_wait3A_41 = arith.constant 0 : i32
      %dma_wait3A_42 = arith.constant 0 : i32
      %dma_wait3A_43 = tpu.memref_slice %arg11[%dma_wait3A_41, %dma_wait3A_42] : memref<10112x128xf32, #tpu.memory_space<vmem_shared>> -> memref<10112x128xf32, #tpu.memory_space<vmem_shared>>
      tpu.wait_indirect_dma semaphore(%run_scoped3A_31 : memref<!tpu.dma_semaphore, #tpu.memory_space<semaphore_mem>>) src(%arg9 : memref<80x128xf32, #tpu.memory_space<vmem>>) dst(%dma_wait3A_43 : memref<10112x128xf32, #tpu.memory_space<vmem_shared>>)
      tpu.yield
    }) : () -> ()
    %dma_wait3A_19 = arith.constant 123 : i32
    %dma_wait3A_20 = arith.constant 0 : i32
    %dma_wait3A_21 = tpu.memref_slice %arg8[%dma_wait3A_19, %dma_wait3A_20] : memref<125x80xi32, #tpu.memory_space<vmem>> -> memref<1x80xi32, #tpu.memory_space<vmem>>
    %dma_wait3A_22 = tpu.memref_squeeze %dma_wait3A_21 : memref<1x80xi32, #tpu.memory_space<vmem>> -> memref<80xi32, #tpu.memory_space<vmem>>
    %dma_wait3A_23 = arith.constant 0 : i32
    %dma_wait3A_24 = arith.constant 0 : i32
    %dma_wait3A_25 = tpu.memref_slice %arg11[%dma_wait3A_23, %dma_wait3A_24] : memref<10112x128xf32, #tpu.memory_space<vmem_shared>> -> memref<10112x128xf32, #tpu.memory_space<vmem_shared>>
    tpu.wait_indirect_dma semaphore(%arg15 : memref<!tpu.dma_semaphore, #tpu.memory_space<semaphore_mem>>) src(%arg10 : memref<80x128xf32, #tpu.memory_space<vmem>>) dst(%dma_wait3A_25 : memref<10112x128xf32, #tpu.memory_space<vmem_shared>>)
    %barrier3A_26 = arith.constant 0 : index
    tpu.barrier barrier_id(%barrier3A_26)
    %mul3A_27 = arith.constant 632 : i32
    %mul3A_28 = arith.muli %arg1, %mul3A_27 : i32
    %mul3A_29 = arith.constant 632 : i32
    %mul3A_30 = arith.muli %arg1, %mul3A_29 : i32
    "tpu.region"() ({
      %run_scoped3A_31 = tpu.sem_alloc : memref<!tpu.dma_semaphore, #tpu.memory_space<semaphore_mem>>
      %dma_start3A_32 = arith.constant 0 : i32
      %dma_start3A_33 = tpu.memref_slice %arg6[%arg0, %mul3A_30, %dma_start3A_32] : memref<2x10112x128xf32, #tpu.memory_space<hbm>> -> memref<1x632x128xf32, #tpu.memory_space<hbm>>
      %dma_start3A_34 = tpu.memref_squeeze %dma_start3A_33 : memref<1x632x128xf32, #tpu.memory_space<hbm>> -> memref<632x128xf32, #tpu.memory_space<hbm>>
      %dma_start3A_35 = arith.constant 0 : i32
      %dma_start3A_36 = tpu.memref_slice %arg11[%mul3A_28, %dma_start3A_35] : memref<10112x128xf32, #tpu.memory_space<vmem_shared>> -> memref<632x128xf32, #tpu.memory_space<vmem_shared>>
      tpu.enqueue_dma source(%dma_start3A_36 : memref<632x128xf32, #tpu.memory_space<vmem_shared>>) target(%dma_start3A_34 : memref<632x128xf32, #tpu.memory_space<hbm>>) target_semaphore(%run_scoped3A_31 : memref<!tpu.dma_semaphore, #tpu.memory_space<semaphore_mem>>)
      %dma_wait3A_37 = arith.constant 0 : i32
      %dma_wait3A_38 = tpu.memref_slice %arg6[%arg0, %mul3A_30, %dma_wait3A_37] : memref<2x10112x128xf32, #tpu.memory_space<hbm>> -> memref<1x632x128xf32, #tpu.memory_space<hbm>>
      %dma_wait3A_39 = tpu.memref_squeeze %dma_wait3A_38 : memref<1x632x128xf32, #tpu.memory_space<hbm>> -> memref<632x128xf32, #tpu.memory_space<hbm>>
      %dma_wait3A_40 = arith.constant 0 : i32
      %dma_wait3A_41 = tpu.memref_slice %arg11[%mul3A_28, %dma_wait3A_40] : memref<10112x128xf32, #tpu.memory_space<vmem_shared>> -> memref<632x128xf32, #tpu.memory_space<vmem_shared>>
      tpu.wait_dma2 semaphore(%run_scoped3A_31 : memref<!tpu.dma_semaphore, #tpu.memory_space<semaphore_mem>>) src(%dma_wait3A_41 : memref<632x128xf32, #tpu.memory_space<vmem_shared>>) dst(%dma_wait3A_39 : memref<632x128xf32, #tpu.memory_space<hbm>>)
      tpu.yield
    }) : () -> ()
    return
  }
}

module attributes {stable_mosaic.version = 14 : i64} {
  func.func @_tc_body(%arg0: i32, %arg1: i32, %arg2: memref<1xf32, #tpu.memory_space<smem>>, %arg3: memref<2000x128xf32, #tpu.memory_space<vmem>>, %arg4: memref<1x2000x128xf32, #tpu.memory_space<vmem>>, %arg5: memref<1x2000x128xf32, #tpu.memory_space<vmem>>, %arg6: memref<128x128xf32, #tpu.memory_space<vmem>>, %arg7: memref<1x128xf32, #tpu.memory_space<vmem>>, %arg8: memref<128x128xf32, #tpu.memory_space<vmem>>, %arg9: memref<1x128xf32, #tpu.memory_space<vmem>>, %arg10: memref<1x128xf32, #tpu.memory_space<vmem>>, %arg11: memref<1x128xf32, #tpu.memory_space<vmem>>, %arg12: memref<2000x128xf32, #tpu.memory_space<vmem>>, %arg13: memref<10000x128xf32, #tpu.memory_space<vmem>>, %arg14: memref<1x128xf32, #tpu.memory_space<vmem>>, %arg15: memref<1x128xf32, #tpu.memory_space<vmem>>, %arg16: memref<1x128xf32, #tpu.memory_space<vmem>>, %arg17: memref<1x128xf32, #tpu.memory_space<vmem>>) attributes {dimension_semantics = [#tpu.dimension_semantics<arbitrary>, #tpu.dimension_semantics<arbitrary>], iteration_bounds = array<i64: 2, 5>, scalar_prefetch = 0 : i64, scratch_operands = 5 : i64, tpu.core_type = #tpu.core_type<tc>, window_params = [{transform_indices = @transform_0, window_bounds = array<i64: 1>}, {transform_indices = @transform_1, window_bounds = array<i64: 2000, 128>}, {transform_indices = @transform_2, window_bounds = array<i64: 1, 2000, 128>}, {transform_indices = @transform_3, window_bounds = array<i64: 1, 2000, 128>}, {pipeline_mode = #tpu.pipeline_mode<synchronous>, transform_indices = @transform_4, window_bounds = array<i64: 128, 128>}, {pipeline_mode = #tpu.pipeline_mode<synchronous>, transform_indices = @transform_5, window_bounds = array<i64: 1, 128>}, {pipeline_mode = #tpu.pipeline_mode<synchronous>, transform_indices = @transform_6, window_bounds = array<i64: 128, 128>}, {pipeline_mode = #tpu.pipeline_mode<synchronous>, transform_indices = @transform_7, window_bounds = array<i64: 1, 128>}, {pipeline_mode = #tpu.pipeline_mode<synchronous>, transform_indices = @transform_8, window_bounds = array<i64: 1, 128>}, {pipeline_mode = #tpu.pipeline_mode<synchronous>, transform_indices = @transform_9, window_bounds = array<i64: 1, 128>}, {transform_indices = @transform_10, window_bounds = array<i64: 2000, 128>}]} {
    %eq3A = arith.constant 0 : i32
    %eq3A_0 = arith.cmpi eq, %arg0, %eq3A : i32
    %convert_element_type3A = arith.extui %eq3A_0 : i1 to i32
    %cond3A = arith.constant 0 : i32
    %cond3A_1 = arith.cmpi ne, %convert_element_type3A, %cond3A : i32
    scf.if %cond3A_1 {
      %get3A = arith.constant 0 : index
      %get3A_7 = memref.load %arg2[%get3A] : memref<1xf32, #tpu.memory_space<smem>>
      %add3A = arith.constant 1.000000e+00 : f32
      %add3A_8 = arith.addf %add3A, %get3A_7 : f32
      %get3A_9 = arith.constant 0 : index
      %get3A_10 = arith.constant 0 : index
      %get3A_11 = vector.load %arg3[%get3A_9, %get3A_10] : memref<2000x128xf32, #tpu.memory_space<vmem>>, vector<2000x128xf32>
      %mul3A = vector.broadcast %add3A_8 : f32 to vector<2000x128xf32>
      %mul3A_12 = arith.mulf %mul3A, %get3A_11 : vector<2000x128xf32>
      %get3A_13 = arith.constant 0 : index
      %get3A_14 = arith.constant 0 : index
      %get3A_15 = arith.constant 0 : index
      %get3A_16 = vector.load %arg4[%get3A_13, %get3A_14, %get3A_15] : memref<1x2000x128xf32, #tpu.memory_space<vmem>>, vector<1x2000x128xf32>
      %get3A_17 = vector.shape_cast %get3A_16 : vector<1x2000x128xf32> to vector<2000x128xf32>
      %add3A_18 = arith.addf %mul3A_12, %get3A_17 : vector<2000x128xf32>
      %get3A_19 = arith.constant 0 : index
      %get3A_20 = arith.constant 0 : index
      %get3A_21 = arith.constant 0 : index
      %get3A_22 = vector.load %arg5[%get3A_19, %get3A_20, %get3A_21] : memref<1x2000x128xf32, #tpu.memory_space<vmem>>, vector<1x2000x128xf32>
      %get3A_23 = vector.shape_cast %get3A_22 : vector<1x2000x128xf32> to vector<2000x128xf32>
      %add3A_24 = arith.addf %add3A_18, %get3A_23 : vector<2000x128xf32>
      %get3A_25 = arith.constant 0 : index
      %get3A_26 = arith.constant 0 : index
      %get3A_27 = vector.load %arg6[%get3A_25, %get3A_26] : memref<128x128xf32, #tpu.memory_space<vmem>>, vector<128x128xf32>
      %dot_general3A = arith.constant dense<0.000000e+00> : vector<2000x128xf32>
      %dot_general3A_28 = tpu.matmul %add3A_24, %get3A_27, %dot_general3A {dimension_numbers = #tpu.dot_dimension_numbers<[1], [0], [0], [1], [0, 0, 1, 1], [], []>, transpose_lhs_hint = false} : vector<2000x128xf32>, vector<128x128xf32>, vector<2000x128xf32> -> vector<2000x128xf32>
      %get3A_29 = arith.constant 0 : index
      %get3A_30 = arith.constant 0 : index
      %get3A_31 = vector.load %arg7[%get3A_29, %get3A_30] : memref<1x128xf32, #tpu.memory_space<vmem>>, vector<1x128xf32>
      %add3A_32 = vector.broadcast %get3A_31 : vector<1x128xf32> to vector<2000x128xf32>
      %add3A_33 = arith.addf %dot_general3A_28, %add3A_32 : vector<2000x128xf32>
      %max3A = arith.constant 0.000000e+00 : f32
      %max3A_34 = vector.broadcast %max3A : f32 to vector<2000x128xf32>
      %max3A_35 = arith.maximumf %add3A_33, %max3A_34 : vector<2000x128xf32>
      %get3A_36 = arith.constant 0 : index
      %get3A_37 = arith.constant 0 : index
      %get3A_38 = vector.load %arg8[%get3A_36, %get3A_37] : memref<128x128xf32, #tpu.memory_space<vmem>>, vector<128x128xf32>
      %dot_general3A_39 = arith.constant dense<0.000000e+00> : vector<2000x128xf32>
      %dot_general3A_40 = tpu.matmul %max3A_35, %get3A_38, %dot_general3A_39 {dimension_numbers = #tpu.dot_dimension_numbers<[1], [0], [0], [1], [0, 0, 1, 1], [], []>, transpose_lhs_hint = false} : vector<2000x128xf32>, vector<128x128xf32>, vector<2000x128xf32> -> vector<2000x128xf32>
      %get3A_41 = arith.constant 0 : index
      %get3A_42 = arith.constant 0 : index
      %get3A_43 = vector.load %arg9[%get3A_41, %get3A_42] : memref<1x128xf32, #tpu.memory_space<vmem>>, vector<1x128xf32>
      %add3A_44 = vector.broadcast %get3A_43 : vector<1x128xf32> to vector<2000x128xf32>
      %add3A_45 = arith.addf %dot_general3A_40, %add3A_44 : vector<2000x128xf32>
      %eq3A_46 = arith.constant 0 : i32
      %eq3A_47 = arith.cmpi eq, %arg1, %eq3A_46 : i32
      %convert_element_type3A_48 = arith.extui %eq3A_47 : i1 to i32
      %cond3A_49 = arith.constant 0 : i32
      %cond3A_50 = arith.cmpi ne, %convert_element_type3A_48, %cond3A_49 : i32
      scf.if %cond3A_50 {
        %broadcast_in_dim3A_74 = arith.constant 0.000000e+00 : f32
        %broadcast_in_dim3A_75 = vector.broadcast %broadcast_in_dim3A_74 : f32 to vector<1x128xf32>
        %swap3A_76 = arith.constant 0 : index
        %swap3A_77 = arith.constant 0 : index
        %swap3A_78 = vector.load %arg14[%swap3A_76, %swap3A_77] : memref<1x128xf32, #tpu.memory_space<vmem>>, vector<1x128xf32>
        tpu.vector_store %arg14[%swap3A_76, %swap3A_77], %broadcast_in_dim3A_75 {strides = array<i32>} : memref<1x128xf32, #tpu.memory_space<vmem>>, vector<1x128xf32>,
        %broadcast_in_dim3A_79 = arith.constant 0.000000e+00 : f32
        %broadcast_in_dim3A_80 = vector.broadcast %broadcast_in_dim3A_79 : f32 to vector<1x128xf32>
        %swap3A_81 = arith.constant 0 : index
        %swap3A_82 = arith.constant 0 : index
        %swap3A_83 = vector.load %arg15[%swap3A_81, %swap3A_82] : memref<1x128xf32, #tpu.memory_space<vmem>>, vector<1x128xf32>
        tpu.vector_store %arg15[%swap3A_81, %swap3A_82], %broadcast_in_dim3A_80 {strides = array<i32>} : memref<1x128xf32, #tpu.memory_space<vmem>>, vector<1x128xf32>,
      } else {
      }
      %get3A_51 = arith.constant 0 : index
      %get3A_52 = arith.constant 0 : index
      %get3A_53 = vector.load %arg14[%get3A_51, %get3A_52] : memref<1x128xf32, #tpu.memory_space<vmem>>, vector<1x128xf32>
      %reduce_sum3A = arith.constant dense<0.000000e+00> : vector<128xf32>
      %reduce_sum3A_54 = vector.multi_reduction <add>, %add3A_45, %reduce_sum3A [0] : vector<2000x128xf32> to vector<128xf32>
      %broadcast_in_dim3A = vector.shape_cast %reduce_sum3A_54 : vector<128xf32> to vector<1x128xf32>
      %add3A_55 = arith.addf %get3A_53, %broadcast_in_dim3A : vector<1x128xf32>
      %swap3A = arith.constant 0 : index
      %swap3A_56 = arith.constant 0 : index
      %swap3A_57 = vector.load %arg14[%swap3A, %swap3A_56] : memref<1x128xf32, #tpu.memory_space<vmem>>, vector<1x128xf32>
      tpu.vector_store %arg14[%swap3A, %swap3A_56], %add3A_55 {strides = array<i32>} : memref<1x128xf32, #tpu.memory_space<vmem>>, vector<1x128xf32>,
      %get3A_58 = arith.constant 0 : index
      %get3A_59 = arith.constant 0 : index
      %get3A_60 = vector.load %arg15[%get3A_58, %get3A_59] : memref<1x128xf32, #tpu.memory_space<vmem>>, vector<1x128xf32>
      %mul3A_61 = arith.mulf %add3A_45, %add3A_45 : vector<2000x128xf32>
      %reduce_sum3A_62 = arith.constant dense<0.000000e+00> : vector<128xf32>
      %reduce_sum3A_63 = vector.multi_reduction <add>, %mul3A_61, %reduce_sum3A_62 [0] : vector<2000x128xf32> to vector<128xf32>
      %broadcast_in_dim3A_64 = vector.shape_cast %reduce_sum3A_63 : vector<128xf32> to vector<1x128xf32>
      %add3A_65 = arith.addf %get3A_60, %broadcast_in_dim3A_64 : vector<1x128xf32>
      %swap3A_66 = arith.constant 0 : index
      %swap3A_67 = arith.constant 0 : index
      %swap3A_68 = vector.load %arg15[%swap3A_66, %swap3A_67] : memref<1x128xf32, #tpu.memory_space<vmem>>, vector<1x128xf32>
      tpu.vector_store %arg15[%swap3A_66, %swap3A_67], %add3A_65 {strides = array<i32>} : memref<1x128xf32, #tpu.memory_space<vmem>>, vector<1x128xf32>,
      %mul3A_69 = arith.constant 2000 : i32
      %mul3A_70 = arith.muli %arg1, %mul3A_69 : i32
      %swap3A_71 = arith.index_cast %mul3A_70 : i32 to index
      %swap3A_72 = arith.constant 0 : index
      %swap3A_73 = vector.load %arg13[%swap3A_71, %swap3A_72] : memref<10000x128xf32, #tpu.memory_space<vmem>>, vector<2000x128xf32>
      tpu.vector_store %arg13[%swap3A_71, %swap3A_72], %add3A_45 {strides = array<i32>} : memref<10000x128xf32, #tpu.memory_space<vmem>>, vector<2000x128xf32>,
    } else {
    }
    %eq3A_2 = arith.constant 1 : i32
    %eq3A_3 = arith.cmpi eq, %arg0, %eq3A_2 : i32
    %convert_element_type3A_4 = arith.extui %eq3A_3 : i1 to i32
    %cond3A_5 = arith.constant 0 : i32
    %cond3A_6 = arith.cmpi ne, %convert_element_type3A_4, %cond3A_5 : i32
    scf.if %cond3A_6 {
      %eq3A_7 = arith.constant 0 : i32
      %eq3A_8 = arith.cmpi eq, %arg1, %eq3A_7 : i32
      %convert_element_type3A_9 = arith.extui %eq3A_8 : i1 to i32
      %cond3A_10 = arith.constant 0 : i32
      %cond3A_11 = arith.cmpi ne, %convert_element_type3A_9, %cond3A_10 : i32
      scf.if %cond3A_11 {
        %get3A_28 = arith.constant 0 : index
        %get3A_29 = arith.constant 0 : index
        %get3A_30 = vector.load %arg14[%get3A_28, %get3A_29] : memref<1x128xf32, #tpu.memory_space<vmem>>, vector<1x128xf32>
        %mul3A_31 = arith.constant 9.99999974E-5 : f32
        %mul3A_32 = vector.broadcast %mul3A_31 : f32 to vector<1x128xf32>
        %mul3A_33 = arith.mulf %get3A_30, %mul3A_32 : vector<1x128xf32>
        %get3A_34 = arith.constant 0 : index
        %get3A_35 = arith.constant 0 : index
        %get3A_36 = vector.load %arg15[%get3A_34, %get3A_35] : memref<1x128xf32, #tpu.memory_space<vmem>>, vector<1x128xf32>
        %mul3A_37 = arith.constant 9.99999974E-5 : f32
        %mul3A_38 = vector.broadcast %mul3A_37 : f32 to vector<1x128xf32>
        %mul3A_39 = arith.mulf %get3A_36, %mul3A_38 : vector<1x128xf32>
        %mul3A_40 = arith.mulf %mul3A_33, %mul3A_33 : vector<1x128xf32>
        %sub3A = arith.subf %mul3A_39, %mul3A_40 : vector<1x128xf32>
        %add3A_41 = arith.constant 9.99999974E-6 : f32
        %add3A_42 = vector.broadcast %add3A_41 : f32 to vector<1x128xf32>
        %add3A_43 = arith.addf %sub3A, %add3A_42 : vector<1x128xf32>
        %rsqrt3A = math.rsqrt %add3A_43 : vector<1x128xf32>
        %get3A_44 = arith.constant 0 : index
        %get3A_45 = arith.constant 0 : index
        %get3A_46 = vector.load %arg10[%get3A_44, %get3A_45] : memref<1x128xf32, #tpu.memory_space<vmem>>, vector<1x128xf32>
        %mul3A_47 = arith.mulf %rsqrt3A, %get3A_46 : vector<1x128xf32>
        %swap3A_48 = arith.constant 0 : index
        %swap3A_49 = arith.constant 0 : index
        %swap3A_50 = vector.load %arg16[%swap3A_48, %swap3A_49] : memref<1x128xf32, #tpu.memory_space<vmem>>, vector<1x128xf32>
        tpu.vector_store %arg16[%swap3A_48, %swap3A_49], %mul3A_47 {strides = array<i32>} : memref<1x128xf32, #tpu.memory_space<vmem>>, vector<1x128xf32>,
        %get3A_51 = arith.constant 0 : index
        %get3A_52 = arith.constant 0 : index
        %get3A_53 = vector.load %arg11[%get3A_51, %get3A_52] : memref<1x128xf32, #tpu.memory_space<vmem>>, vector<1x128xf32>
        %mul3A_54 = arith.mulf %mul3A_33, %mul3A_47 : vector<1x128xf32>
        %sub3A_55 = arith.subf %get3A_53, %mul3A_54 : vector<1x128xf32>
        %swap3A_56 = arith.constant 0 : index
        %swap3A_57 = arith.constant 0 : index
        %swap3A_58 = vector.load %arg17[%swap3A_56, %swap3A_57] : memref<1x128xf32, #tpu.memory_space<vmem>>, vector<1x128xf32>
        tpu.vector_store %arg17[%swap3A_56, %swap3A_57], %sub3A_55 {strides = array<i32>} : memref<1x128xf32, #tpu.memory_space<vmem>>, vector<1x128xf32>,
      } else {
      }
      %mul3A = arith.constant 2000 : i32
      %mul3A_12 = arith.muli %arg1, %mul3A : i32
      %get3A = arith.index_cast %mul3A_12 : i32 to index
      %get3A_13 = arith.constant 0 : index
      %get3A_14 = vector.load %arg13[%get3A, %get3A_13] : memref<10000x128xf32, #tpu.memory_space<vmem>>, vector<2000x128xf32>
      %get3A_15 = arith.constant 0 : index
      %get3A_16 = arith.constant 0 : index
      %get3A_17 = vector.load %arg16[%get3A_15, %get3A_16] : memref<1x128xf32, #tpu.memory_space<vmem>>, vector<1x128xf32>
      %mul3A_18 = vector.broadcast %get3A_17 : vector<1x128xf32> to vector<2000x128xf32>
      %mul3A_19 = arith.mulf %get3A_14, %mul3A_18 : vector<2000x128xf32>
      %get3A_20 = arith.constant 0 : index
      %get3A_21 = arith.constant 0 : index
      %get3A_22 = vector.load %arg17[%get3A_20, %get3A_21] : memref<1x128xf32, #tpu.memory_space<vmem>>, vector<1x128xf32>
      %add3A = vector.broadcast %get3A_22 : vector<1x128xf32> to vector<2000x128xf32>
      %add3A_23 = arith.addf %mul3A_19, %add3A : vector<2000x128xf32>
      %max3A = arith.constant 0.000000e+00 : f32
      %max3A_24 = vector.broadcast %max3A : f32 to vector<2000x128xf32>
      %max3A_25 = arith.maximumf %add3A_23, %max3A_24 : vector<2000x128xf32>
      %swap3A = arith.constant 0 : index
      %swap3A_26 = arith.constant 0 : index
      %swap3A_27 = vector.load %arg12[%swap3A, %swap3A_26] : memref<2000x128xf32, #tpu.memory_space<vmem>>, vector<2000x128xf32>
      tpu.vector_store %arg12[%swap3A, %swap3A_26], %max3A_25 {strides = array<i32>} : memref<2000x128xf32, #tpu.memory_space<vmem>>, vector<2000x128xf32>,
    } else {
    }
    return
  }
  func.func @transform_0(%arg0: i32, %arg1: i32) -> i32 {
    %c0_i32 = arith.constant 0 : i32
    %c0_i32_0 = arith.constant 0 : i32
    return %c0_i32 : i32
  }
  func.func @transform_1(%arg0: i32, %arg1: i32) -> (i32, i32) {
    %eq3A = arith.constant 0 : i32
    %eq3A_0 = arith.cmpi eq, %arg0, %eq3A : i32
    %jit3A = arith.constant 0 : i32
    %select_n3A = arith.select %eq3A_0, %arg1, %jit3A : i32
    %c0_i32 = arith.constant 0 : i32
    %c0_i32_1 = arith.constant 0 : i32
    return %select_n3A, %c0_i32 : i32, i32
  }
  func.func @transform_2(%arg0: i32, %arg1: i32) -> (i32, i32, i32) {
    %eq3A = arith.constant 0 : i32
    %eq3A_0 = arith.cmpi eq, %arg0, %eq3A : i32
    %jit3A = arith.constant 0 : i32
    %select_n3A = arith.select %eq3A_0, %arg1, %jit3A : i32
    %c0_i32 = arith.constant 0 : i32
    %c0_i32_1 = arith.constant 0 : i32
    %c0_i32_2 = arith.constant 0 : i32
    return %c0_i32, %select_n3A, %c0_i32_1 : i32, i32, i32
  }
  func.func @transform_3(%arg0: i32, %arg1: i32) -> (i32, i32, i32) {
    %eq3A = arith.constant 0 : i32
    %eq3A_0 = arith.cmpi eq, %arg0, %eq3A : i32
    %jit3A = arith.constant 0 : i32
    %select_n3A = arith.select %eq3A_0, %arg1, %jit3A : i32
    %c1_i32 = arith.constant 1 : i32
    %c0_i32 = arith.constant 0 : i32
    %c0_i32_1 = arith.constant 0 : i32
    return %c1_i32, %select_n3A, %c0_i32 : i32, i32, i32
  }
  func.func @transform_4(%arg0: i32, %arg1: i32) -> (i32, i32) {
    %c0_i32 = arith.constant 0 : i32
    %c0_i32_0 = arith.constant 0 : i32
    %c0_i32_1 = arith.constant 0 : i32
    return %c0_i32, %c0_i32_0 : i32, i32
  }
  func.func @transform_5(%arg0: i32, %arg1: i32) -> (i32, i32) {
    %c0_i32 = arith.constant 0 : i32
    %c0_i32_0 = arith.constant 0 : i32
    %c0_i32_1 = arith.constant 0 : i32
    return %c0_i32, %c0_i32_0 : i32, i32
  }
  func.func @transform_6(%arg0: i32, %arg1: i32) -> (i32, i32) {
    %c0_i32 = arith.constant 0 : i32
    %c0_i32_0 = arith.constant 0 : i32
    %c0_i32_1 = arith.constant 0 : i32
    return %c0_i32, %c0_i32_0 : i32, i32
  }
  func.func @transform_7(%arg0: i32, %arg1: i32) -> (i32, i32) {
    %c0_i32 = arith.constant 0 : i32
    %c0_i32_0 = arith.constant 0 : i32
    %c0_i32_1 = arith.constant 0 : i32
    return %c0_i32, %c0_i32_0 : i32, i32
  }
  func.func @transform_8(%arg0: i32, %arg1: i32) -> (i32, i32) {
    %c0_i32 = arith.constant 0 : i32
    %c0_i32_0 = arith.constant 0 : i32
    %c0_i32_1 = arith.constant 0 : i32
    return %c0_i32, %c0_i32_0 : i32, i32
  }
  func.func @transform_9(%arg0: i32, %arg1: i32) -> (i32, i32) {
    %c0_i32 = arith.constant 0 : i32
    %c0_i32_0 = arith.constant 0 : i32
    %c0_i32_1 = arith.constant 0 : i32
    return %c0_i32, %c0_i32_0 : i32, i32
  }
  func.func @transform_10(%arg0: i32, %arg1: i32) -> (i32, i32) {
    %eq3A = arith.constant 0 : i32
    %eq3A_0 = arith.cmpi eq, %arg0, %eq3A : i32
    %jit3A = arith.constant 0 : i32
    %select_n3A = arith.select %eq3A_0, %jit3A, %arg1 : i32
    %c0_i32 = arith.constant 0 : i32
    %c0_i32_1 = arith.constant 0 : i32
    return %select_n3A, %c0_i32 : i32, i32
  }
}

</mosaic_0001>

<sc_bundles>
// kernel: kernel.4.cloned.1.call-start
scs
__scs_entry_jumppad:
0x0: {  	(pc) =	sbr.rel $0x88, $3  }
0x1: {  	(tag) =	ssettag $0x0;
	lr =	simm.s32 $0x1  }
0x2: {  	[smem:$0x3F98] =	sst lr;
	_ =	strace $0xD0000000  }
0x3: {  	_ = 	snop  }
0x4: {  	_ = 	snop  }
0x5: {  	_ = 	snop  }
0x6: {  	_ = 	snop  }
0x7: {  	_ = 	snop  }
__scs_overlays_trampoline_lowered:
0x8: {  	[smem:$0x3FA7] =	sst s0  }
0x9: {  	[smem:$0x3FA8] =	sst s1  }
0xa: {  	[smem:$0x3FA9] =	sst s2  }
0xb: {  	[smem:$0x3FAA] =	sst s3  }
0xc: {  	[smem:$0x3FAB] =	sst s4  }
0xd: {  	[smem:$0x3FAC] =	sst s5  }
0xe: {  	[smem:$0x3FAD] =	sst s6  }
0xf: {  	[smem:$0x3FAE] =	sst s7  }
0x10: {  	[smem:$0x3FAF] =	sst s8  }
0x11: {  	[smem:$0x3FB0] =	sst s9;
	s0 =	simm.s32 @!p0 $0x0  }
0x12: {  	s1 =	sld [smem:$0x3F96];
	s0 =	simm.s32 @p0 $0x1  }
0x13: {  	[smem:$0x3FB1] =	sst s0;
	s0 =	simm.s32 @!p1 $0x0  }
0x14: {  	s2 =	sld [smem:$0x3F95];
	s0 =	simm.s32 @p1 $0x1  }
0x15: {  	[smem:$0x3FB2] =	sst s0;
	s0 =	simm.s32 @!p2 $0x0  }
0x16: {  	s3 =	sld [smem:$0x3FDB];
	s0 =	simm.s32 @p2 $0x1  }
0x17: {  	s4 =	simm.s32 $0x1BF5;
	[smem:$0x3FB4] =	sst s0  }
0x18: {  	s0 =	sld [smem:$0x3F97];
	_ =	swait.ge [sflag:s4], $0x0  }
0x19: {  	s7 =	sld [smem:$0x3F98]  }
0x1a: {  	s8 =	sadd.s32 $0xFFFFE003, lr  }
0x1b: {  	s9 =	sadd.s32 $0xFFFFFEF7, lr;
	s5 =	simm.s32 $0xFFFFFFFF;
	p2 =	slt.u32 s8, $0xFFFFF086  }
0x1c: {  	p1 =	slt.u32 s9, $0xF7A;
	s5 =	simm.s32 @!p2 $0x0  }
0x1d: {  	s5 =	simm.s32 @p1 $0x1;
	p0 =	seq.s32 s7, s2  }
0x1e: {  	s7 =	smul.u32 @!p0 $0xF7A, s2;
	p2 =	seq.s32 @!p0 s5, $0x0  }
0x1f: {  	s9 =	smul.u32 $0xF7A, s1;
	s8 =	simm.s32 @!p0 $0x1BF5;
	p2 =	por !p2, p0  }
0x20: {  	[sflag:s8] =	ssyncset.s32 @!p0 $0xFFFFF086;
	s6 =	sadd.s32 @!p0 s3, s7;
	s7 =	simm.s32 @!p0 $0x108  }
0x21: {  	s3 =	sadd.s32 s3, s9;
	s6 =	sadd.s32 @!p0 $0x88, s6;
	s7 =	simm.s32 @p2 $0x1082  }
0x22: {  	[simem:s7], [sflag:s8] =	dma.local @!p0 [hbm:s6], $0xF7A  }
0x23: {  	s9 =	sor.u32 $0xD0000000, s2;
	s6 =	simm.s32 $0x108;
	_ =	swait.ge @!p0 [sflag:s8], $0x0  }
0x24: {  	s3 =	sadd.s32 $0x88, s3;
	s6 =	simm.s32 @!p1 $0x1082;
	[sflag:s4] =	ssyncset.s32 $0xFFFFF086  }
0x25: {  	[simem:s6], [sflag:s4] =	dma.local [hbm:s3], $0xF7A  }
0x26: {  	[smem:$0x3F98] =	sst s1;
	(tag) =	ssettag s2;
	_ =	strace s9  }
0x27: {  	s1 =	sld [smem:$0x3FA8]  }
0x28: {  	s2 =	sld [smem:$0x3FA9]  }
0x29: {  	s4 =	sld [smem:$0x3FAB]  }
0x2a: {  	p0 =	seq.s32 s5, $0x0;
	s5 =	sld [smem:$0x3FAC]  }
0x2b: {  	s6 =	sld [smem:$0x3FAD]  }
0x2c: {  	s7 =	sld [smem:$0x3FAE]  }
0x2d: {  	s3 =	simm.s32 $0x108;
	s8 =	sld [smem:$0x3FAF]  }
0x2e: {  	s3 =	simm.s32 @!p0 $0x1082;
	s9 =	sld [smem:$0x3FB0]  }
0x2f: {  	lr =	sadd.s32 s0, s3;
	s0 =	sld [smem:$0x3FA7]  }
0x30: {  	s3 =	sld [smem:$0x3FAA]  }
0x31: {  	[smem:$0x3FB3] =	sst s10  }
0x32: {  	s10 =	sld [smem:$0x3FB1];
	_ =	sdelay $0x3  }
0x33: {  	p0 =	seq.s32 s10, $0x1;
	s10 =	sld [smem:$0x3FB3];
	_ =	sdelay $0x3  }
0x34: {  	[smem:$0x3FB3] =	sst s10  }
0x35: {  	s10 =	sld [smem:$0x3FB2];
	_ =	sdelay $0x3  }
0x36: {  	p1 =	seq.s32 s10, $0x1;
	s10 =	sld [smem:$0x3FB3];
	_ =	sdelay $0x3  }
0x37: {  	[smem:$0x3FB3] =	sst s10  }
0x38: {  	s10 =	sld [smem:$0x3FB4]  }
0x39: {  	_ = 	snop;
	(pc) =	sbr.ind lr, $3  }
0x3a: {  	_ = 	snop  }
0x3b: {  	_ = 	snop  }
0x3c: {  	p2 =	seq.s32 s10, $0x1;
	s10 =	sld [smem:$0x3FB3]  }
0x3d: {  	_ =	shalt  }
0x3e: {  	_ =	shalt  }
0x3f: {  	_ =	shalt  }
0x40: {  	_ =	shalt  }
0x41: {  	_ =	shalt  }
0x42: {  	_ =	shalt  }
0x43: {  	_ =	shalt  }
0x44: {  	_ =	shalt  }
0x45: {  	_ =	shalt  }
0x46: {  	_ =	shalt  }
0x47: {  	_ =	shalt  }
0x48: {  	_ =	shalt  }
0x49: {  	_ =	shalt  }
0x4a: {  	_ =	shalt  }
0x4b: {  	_ =	shalt  }
0x4c: {  	_ =	shalt  }
0x4d: {  	_ =	shalt  }
0x4e: {  	_ =	shalt  }
0x4f: {  	_ =	shalt  }
0x50: {  	_ =	shalt  }
0x51: {  	_ =	shalt  }
0x52: {  	_ =	shalt  }
0x53: {  	_ =	shalt  }
0x54: {  	_ =	shalt  }
0x55: {  	_ =	shalt  }
0x56: {  	_ =	shalt  }
0x57: {  	_ =	shalt  }
0x58: {  	_ =	shalt  }
0x59: {  	_ =	shalt  }
0x5a: {  	_ =	shalt  }
0x5b: {  	_ =	shalt  }
0x5c: {  	_ =	shalt  }
0x5d: {  	_ =	shalt  }
0x5e: {  	_ =	shalt  }
0x5f: {  	_ =	shalt  }
0x60: {  	_ =	shalt  }
0x61: {  	_ =	shalt  }
0x62: {  	_ =	shalt  }
0x63: {  	_ =	shalt  }
0x64: {  	_ =	shalt  }
0x65: {  	_ =	shalt  }
0x66: {  	_ =	shalt  }
0x67: {  	_ =	shalt  }
0x68: {  	_ =	shalt  }
0x69: {  	_ =	shalt  }
0x6a: {  	_ =	shalt  }
0x6b: {  	_ =	shalt  }
0x6c: {  	_ =	shalt  }
0x6d: {  	_ =	shalt  }
0x6e: {  	_ =	shalt  }
0x6f: {  	_ =	shalt  }
0x70: {  	_ =	shalt  }
0x71: {  	_ =	shalt  }
0x72: {  	_ =	shalt  }
0x73: {  	_ =	shalt  }
0x74: {  	_ =	shalt  }
0x75: {  	_ =	shalt  }
0x76: {  	_ =	shalt  }
0x77: {  	_ =	shalt  }
0x78: {  	_ =	shalt  }
0x79: {  	_ =	shalt  }
0x7a: {  	_ =	shalt  }
0x7b: {  	_ =	shalt  }
0x7c: {  	_ =	shalt  }
0x7d: {  	_ =	shalt  }
0x7e: {  	_ =	shalt  }
0x7f: {  	_ =	shalt  }
0x80: {  	_ =	shalt  }
0x81: {  	_ =	shalt  }
0x82: {  	_ =	shalt  }
0x83: {  	_ =	shalt  }
0x84: {  	_ =	shalt  }
0x85: {  	_ =	shalt  }
0x86: {  	_ =	shalt  }
0x87: {  	_ =	shalt  }
.Lfunc_end0:
.L_simem_size_0:
called_computation_lowered:
.L_overlay_start_0:
0x88: {  	s2 =	sld [smem:$0x3FD9]  }
0x89: {  	s3 =	sld [smem:$0x3FFE];
	_ =	sdelay $0x1  }
0x8a: {  	s1 =	srdreg.scid  }
0x8b: {  	s0 =	sand.u32 $0x1, s1  }
0x8c: {  	s17 =	sshll.u32 s0, $0xA;
	s2 =	sadd.s32 s3, s2  }
0x8d: {  	s2 =	sadd.s32 s2, s17  }
0x8e: {  	[smem:$0x3FBF] =	sst s2  }
0x8f: {  	_ = 	snop  }
0x90: {  	s2 =	sld [smem:$0x3FC9]  }
0x91: {  	s18 =	sld [smem:$0x3FD0];
	(tm) =	ssettm $0x1  }
0x92: {  	s4 =	sld [smem:$0x3FFB];
	_ =	sdelay $0x3  }
0x93: {  	_ =	strace s4  }
0x94: {  	s4 =	sld [smem:$0x3FFC];
	_ =	sdelay $0x3  }
0x95: {  	_ =	strace s4  }
0x96: {  	s4 =	sld [smem:$0x3FFD];
	_ =	sdelay $0x3  }
0x97: {  	_ =	strace s4  }
0x98: {  	_ =	strace $0x8FFFFFFF  }
0x99: {  	s19 =	sld [smem:$0x3FDB];
	_ =	sdelay $0x1  }
0x9a: {  	s5 =	simm.s32 $_scs_section_size  }
0x9b: {  	s6 =	simm.s32 $_size__tile_overlayer_lowered;
	s7 =	simm.s32 $_tile_overlayer_lowered  }
0x9c: {  	s22 =	simm.s32 $0x1BFF;
	s21 =	sshll.u32 s7, $0x1;
	s4 =	sadd.s32 s5, s19  }
0x9d: {  	s8 =	simm.s32 $0x0;
	s20 =	sshll.u32 s6, $0x1;
	s6 =	sadd.s32 s21, s4  }
0x9e: {  	[timem:s8], [sflag:s22] =	dma.local [hbm:s6], s20  }
0x9f: {  	_ =	swait.ge [sflag:s22], s20  }
0xa0: {  	s5 =	ssub.s32 $0x0, s20;
	[sflag:s22] =	ssyncset.done $0x0  }
0xa1: {  	[sflag:s22] =	ssyncadd.s32 s5;
	_ =	sdelay $0x1  }
0xa2: {  	s23 =	simm.s32 $0x1B8B  }
0xa3: {  	_ =	swait.ge [sflag:s23], $0x1  }
0xa4: {  	[sflag:s23] =	ssyncset.done $0x0  }
0xa5: {  	s25 =	simm.s32 $0x1B8E;
	s24 =	sld [smem:$0x3FFE];
	[sflag:s23] =	ssyncadd.s32 $0xFFFFFFFF  }
0xa6: {  	s26 =	simm.s32 $execute0_lowered;
	[smem:$0x3FD2] =	sst s25  }
0xa7: {  	s6 =	sshll.u32 s26, $0x1;
	_ =	strace $0x80000046;
	[dreg:$0x1] =	wrdreg $0xFFFFFFFF  }
0xa8: {  	s28 =	simm.s32 $_size_execute0_lowered;
	s4 =	sadd.s32 s4, s6;
	[dreg:$0x0] =	wrdreg $0x0  }
0xa9: {  	s6 =	sshll.u32 s28, $0x1;
	[dreg:$0x2] =	wrdreg s4  }
0xaa: {  	[dreg:$0x3] =	wrdreg s6  }
0xab: {  	[dreg:$0x4] =	wrdreg $0xC0  }
0xac: {  	_ =	task [dreg:s8], $0x5FFFF  }
0xad: {  	[dreg:$0x1] =	wrdreg $0xFFFFFFFF  }
0xae: {  	[dreg:$0x0] =	wrdreg $0x60  }
0xaf: {  	[dreg:$0x2] =	wrdreg s2  }
0xb0: {  	[dreg:$0x3] =	wrdreg s24  }
0xb1: {  	[dreg:$0x4] =	wrdreg s18  }
0xb2: {  	[dreg:$0x5] =	wrdreg $0xB7800  }
0xb3: {  	[dreg:$0x6] =	wrdreg $0x9  }
0xb4: {  	_ =	task.clear_ibuf [dreg:s8], $0x7FFFF;
	_ =	strace $0x90000046  }
0xb5: {  	s29 =	simm.s32 $0x9;
	_ =	strace $0x80000048  }
0xb6: {  	_ =	swait.ge [sflag:s29], $0x1  }
0xb7: {  	[sflag:s29] =	ssyncadd.s32 $0xFFFFFFFF  }
0xb8: {  	_ =	strace $0x90000048  }
0xb9: {  	_ =	sfence  }
0xba: {  	s30 =	sld [smem:$0x0];
	_ =	sdelay $0x2  }
0xbb: {  	s31 =	sshll.u32 s1, $0xD;
	s1 =	sshrl.u32 s1, $0x2  }
0xbc: {  	s3 =	sand.u32 $0x4000, s31;
	s1 =	sadd.s32 s1, s30  }
0xbd: {  	s0 =	sor.u32 s3, s0;
	s1 =	sshll.u32 s1, $0x11  }
0xbe: {  	s0 =	sor.u32 s1, s0  }
0xbf: {  	s0 =	sadd.s32 $0x8F2B, s0  }
0xc0: {  	[sflag:s0] =	ssyncadd.remote.s32 $0x1  }
0xc1: {  	_ =	sfence.sel $0xFFFF  }
0xc2: {  	[dreg:$0x0] =	wrdreg $0xFFFFFFFF;
	(pc) =	sbr.abs _section_cstart, $3  }
0xc3: {  	[dreg:$0x1] =	wrdreg $0xFFFFFFFF  }
0xc4: {  	_ =	task.clear_ibuf [dreg:s8], $0x2FFFF;
	_ =	strace $0x9FFFFFFF  }
0xc5: {  	(tm) =	ssettm $0x7FFFFFFF  }
tec
execute0_lowered:
.L_overlay_start_1:
0x0: {  	(tag) =	ssettag $0x1  }
0x1: {  	s1 =	rddreg [dreg:$0x0]  }
0x2: {  	s5 =	rddreg [dreg:$0x1]  }
0x3: {  	s2 =	srdreg.scid;
	s8 =	rddreg [dreg:$0x2]  }
0x4: {  	s0 =	stileid.u32;
	s3 =	rddreg [dreg:$0x3]  }
0x5: {  	s4 =	simm.s32 $0x0;
	s14 =	simm.s32 $0x400;
	s15 =	simm.s32 $0x2780  }
0x6: {  	s16 =	simm.s32 $0x50;
	s17 =	simm.s32 $0x6780;
	s18 =	simm.s32 $0x1  }
0x7: {  	s19 =	simm.s32 $0x8F80;
	s20 =	simm.s32 $0x2;
	s21 =	simm.s32 $0x3  }
0x8: {  	s22 =	simm.s32 $0xA0;
	s23 =	simm.s32 $0x2800;
	s24 =	simm.s32 $0x4  }
0x9: {  	s6 =	sand.u32 $0x1, s2;
	s25 =	sshll.u32 s0, $0x1;
	s28 =	smul.u32 $0x13C00, s0  }
0xa: {  	s26 =	sshrl.u32 s0, $0x2;
	s2 =	rddreg [dreg:$0x4];
	s13 =	smul.u32 $0x4F000, s0  }
0xb: {  	[smem:$0x7FF] =	sst s4;
	s30 =	sshll.u32 s0, $0x6;
	s9 =	smul.u32 $0x13C00, s26  }
0xc: {  	s7 =	sor.u32 s6, s25;
	_ =	strace $0x80000047;
	s11 =	smul.u32 $0x13C000, s6  }
0xd: {  	s6 =	ssub.s32 $0x2, s6;
	s25 =	simm.s32 $0x6580;
	s26 =	simm.s32 $0x0  }
0xe: {  	s10 =	sshll.u32 s7, $0x7;
	s12 =	sshrl.u32 s28, $0x3;
	s29 =	sshrl.u32 s6, $0x1  }
0xf: {  	s13 =	sshrl.u32 s13, $0x2;
	s31 =	sshll.u32 s7, $0xB;
	s10 =	sand.u32 $0x380, s10  }
0x10: {  	s12 =	sadd.s32 s12, s5;
	s13 =	sadd.s32 s13, s3;
	s8 =	sadd.s32 s8, s31  }
0x11: {  	s9 =	sor.u32 s9, s10;
	s10 =	sadd.s32 s28, s11;
	s11 =	ssub.s32 s6, s29  }
0x12: {  	s6 =	sor.u32 $0x1C05, s30;
	s9 =	sshrl.u32 s9, $0x3;
	s10 =	sshrl.u32 s10, $0x3  }
0x13: {  	s9 =	sadd.s32 s9, s5;
	s10 =	sadd.s32 s10, s5;
	s5 =	sadd.s32 $0xB600, s12  }
0x14: {  	s12 =	simm.s32 $0x5;
	s7 =	sadd.s32 $0x1800, s9;
	s9 =	sadd.s32 $0x32E00, s10  }
0x15: {  	s10 =	smax.u32 s11, $0x1;
	s11 =	sshrl.u32 s13, $0x3;
	s13 =	simm.s32 $0x80  }
.LBB2_1:
0x16: {  	[spmem:s11], [sflag:s6] =	dma.local [hbm:s5], $0x2780  }
0x17: {  	_ =	swait.ge [sflag:s12], $0x2780  }
0x18: {  	[sflag:s12] =	ssyncset.done $0x0  }
0x19: {  	[sflag:s12] =	ssyncadd.s32 $0xFFFFD880  }
0x1a: {  	[tilespmem:s4], [sflag:$0x5] =	stream.strided.gather [hbm4b:s7+s13], $0x2780, s14, s13, $0x38;
	[tilespmem:$0x1F380] =	vst v63  }
0x1b: {  	_ =	swait.ge [sflag:s12], $0x2780  }
0x1c: {  	[sflag:s12] =	ssyncset.done $0x0  }
0x1d: {  	[sflag:s12] =	ssyncadd.s32 $0xFFFFD880  }
0x1e: {  	[tilespmem:s15], [sflag:$0x5] =	stream.linear.gather [hbm4b:s8+s4], $0x3E80, $0x38;
	[tilespmem:$0x1F380] =	vst v63  }
0x1f: {  	_ =	swait.ge [sflag:s12], $0x3E80  }
0x20: {  	[sflag:s12] =	ssyncset.done $0x0  }
0x21: {  	[sflag:s12] =	ssyncadd.s32 $0xFFFFC180  }
0x22: {  	[bflag:$0x0] =	sbarrier.arrive $0xFFFF  }
0x23: {  	[tilespmem:s17], [sflag:$0x1] =	stream.indirect.gather [hbm4b:s1+s16], $0x80, s4, s16, $0xb8;
	[tilespmem:$0x1F380] =	vst v63  }
0x24: {  	_ =	swait.ge [sflag:s18], $0x2800  }
0x25: {  	[sflag:s18] =	ssyncset.done $0x0  }
0x26: {  	[sflag:s18] =	ssyncadd.s32 $0xFFFFD800  }
0x27: {  	[tilespmem:s19], [sflag:$0x2] =	stream.indirect.gather [hbm4b:s1+s16], $0x80, s16, s16, $0xb8;
	[tilespmem:$0x1F380] =	vst v63  }
0x28: {  	_ = 	snop  }
0x29: {  	[spmem:s3] =	stream.indirect.scatter.add.f32 [tilespmem:s17], [sflag:$0x3], $0x80, s15, s16, $0xb8;
	[tilespmem:$0x1F380] =	vst v63  }
0x2a: {  	_ =	swait.ge [sflag:s20], $0x2800  }
0x2b: {  	[sflag:s20] =	ssyncset.done $0x0  }
0x2c: {  	[sflag:s20] =	ssyncadd.s32 $0xFFFFD800  }
0x2d: {  	_ =	swait.ge [sflag:s21], $0x2800  }
0x2e: {  	[sflag:s21] =	ssyncset.done $0x0  }
0x2f: {  	[sflag:s21] =	ssyncadd.s32 $0xFFFFD800  }
0x30: {  	[tilespmem:s17], [sflag:$0x1] =	stream.indirect.gather [hbm4b:s1+s16], $0x80, s22, s16, $0xb8;
	[tilespmem:$0x1F380] =	vst v63  }
0x31: {  	_ = 	snop  }
0x32: {  	[spmem:s3] =	stream.indirect.scatter.add.f32 [tilespmem:s19], [sflag:$0x4], $0x80, s23, s16, $0xb8;
	[tilespmem:$0x1F380] =	vst v63  }
0x33: {  	_ =	swait.ge [sflag:s18], $0x2800  }
0x34: {  	[sflag:s18] =	ssyncset.done $0x0  }
0x35: {  	[sflag:s18] =	ssyncadd.s32 $0xFFFFD800  }
0x36: {  	_ =	swait.ge [sflag:s24], $0x2800  }
0x37: {  	[sflag:s24] =	ssyncset.done $0x0  }
0x38: {  	s28 =	simm.s32 $0xF0;
	[sflag:s24] =	ssyncadd.s32 $0xFFFFD800  }
0x39: {  	[tilespmem:s19], [sflag:$0x2] =	stream.indirect.gather [hbm4b:s1+s16], $0x80, s28, s16, $0xb8;
	[tilespmem:$0x1F380] =	vst v63  }
0x3a: {  	s28 =	simm.s32 $0x2880  }
0x3b: {  	[spmem:s3] =	stream.indirect.scatter.add.f32 [tilespmem:s17], [sflag:$0x3], $0x80, s28, s16, $0xb8;
	[tilespmem:$0x1F380] =	vst v63  }
0x3c: {  	_ =	swait.ge [sflag:s20], $0x2800  }
0x3d: {  	[sflag:s20] =	ssyncset.done $0x0  }
0x3e: {  	[sflag:s20] =	ssyncadd.s32 $0xFFFFD800  }
0x3f: {  	_ =	swait.ge [sflag:s21], $0x2800  }
0x40: {  	[sflag:s21] =	ssyncset.done $0x0  }
0x41: {  	s28 =	simm.s32 $0x140;
	[sflag:s21] =	ssyncadd.s32 $0xFFFFD800  }
0x42: {  	[tilespmem:s17], [sflag:$0x1] =	stream.indirect.gather [hbm4b:s1+s16], $0x80, s28, s16, $0xb8;
	[tilespmem:$0x1F380] =	vst v63  }
0x43: {  	s30 =	simm.s32 $0x2900;
	s29 =	simm.s32 $0x190;
	s28 =	simm.s32 $0xFFFF1000  }
.LBB2_2:
0x44: {  	[spmem:s3] =	stream.indirect.scatter.add.f32 [tilespmem:s19], [sflag:$0x4], $0x80, s30, s16, $0xb8;
	[tilespmem:$0x1F380] =	vst v63  }
0x45: {  	s30 =	smov.u32 s28  }
0x46: {  	p0 =	sne.s32 s28, $0xFFFFFC00;
	s28 =	sadd.s32 $0x400, s28;
	_ =	swait.ge [sflag:s18], $0x2800  }
0x47: {  	[sflag:s18] =	ssyncset.done $0x0  }
0x48: {  	[sflag:s18] =	ssyncadd.s32 $0xFFFFD800  }
0x49: {  	_ =	swait.ge [sflag:s24], $0x2800  }
0x4a: {  	[sflag:s24] =	ssyncset.done $0x0  }
0x4b: {  	s30 =	sshra.s32 s30, $0x2;
	[sflag:s24] =	ssyncadd.s32 $0xFFFFD800  }
0x4c: {  	[tilespmem:s19], [sflag:$0x2] =	stream.indirect.gather [hbm4b:s1+s16], $0x80, s29, s16, $0xb8;
	[tilespmem:$0x1F380] =	vst v63  }
0x4d: {  	s31 =	sadd.s32 $0x6580, s30  }
0x4e: {  	[spmem:s3] =	stream.indirect.scatter.add.f32 [tilespmem:s17], [sflag:$0x3], $0x80, s31, s16, $0xb8;
	[tilespmem:$0x1F380] =	vst v63  }
0x4f: {  	_ =	swait.ge [sflag:s20], $0x2800  }
0x50: {  	[sflag:s20] =	ssyncset.done $0x0  }
0x51: {  	[sflag:s20] =	ssyncadd.s32 $0xFFFFD800  }
.Ltmp0:
0x52: {  	_ =	swait.ge [sflag:s21], $0x2800;
	(pc) =	sbr.rel @p0 .LBB2_2-.Ltmp0, $4  }
0x53: {  	[sflag:s21] =	ssyncset.done $0x0  }
0x54: {  	s31 =	sadd.s32 $0x50, s29;
	[sflag:s21] =	ssyncadd.s32 $0xFFFFD800  }
0x55: {  	[tilespmem:s17], [sflag:$0x1] =	stream.indirect.gather [hbm4b:s1+s16], $0x80, s31, s16, $0xb8;
	[tilespmem:$0x1F380] =	vst v63  }
0x56: {  	s30 =	sadd.s32 $0x6600, s30;
	s29 =	sadd.s32 $0xA0, s29  }
0x57: {  	[spmem:s3] =	stream.indirect.scatter.add.f32 [tilespmem:s19], [sflag:$0x4], $0x80, s30, s16, $0xb8;
	[tilespmem:$0x1F380] =	vst v63  }
0x58: {  	_ =	swait.ge [sflag:s18], $0x2800  }
0x59: {  	[sflag:s18] =	ssyncset.done $0x0  }
0x5a: {  	[sflag:s18] =	ssyncadd.s32 $0xFFFFD800  }
0x5b: {  	[spmem:s3] =	stream.indirect.scatter.add.f32 [tilespmem:s17], [sflag:$0x5], $0x80, s25, s16, $0xb8;
	[tilespmem:$0x1F380] =	vst v63  }
0x5c: {  	_ =	swait.ge [sflag:s12], $0x2800  }
0x5d: {  	[sflag:s12] =	ssyncset.done $0x0  }
0x5e: {  	[sflag:s12] =	ssyncadd.s32 $0xFFFFD800  }
0x5f: {  	_ =	swait.ge [sflag:s24], $0x2800  }
0x60: {  	s26 =	sadd.s32 $0x1, s26;
	[sflag:s24] =	ssyncset.done $0x0  }
0x61: {  	p0 =	sne.s32 s26, s10;
	[sflag:s24] =	ssyncadd.s32 $0xFFFFD800  }
.Ltmp1:
0x62: {  	[bflag:$0x0] =	sbarrier.arrive $0xFFFF;
	(pc) =	sbr.rel @p0 .LBB2_1-.Ltmp1, $4  }
0x63: {  	[hbm:s9], [sflag:s6] =	dma.local [spmem:s11], $0x2780  }
0x64: {  	_ =	swait.ge [sflag:s12], $0x2780  }
0x65: {  	[sflag:s12] =	ssyncset.done $0x0  }
0x66: {  	[sflag:s12] =	ssyncadd.s32 $0xFFFFD880  }
0x67: {  	_ =	sfence.sel $0x180000  }
0x68: {  	[bflag:$0x0] =	sbarrier.arrive $0xFFFF  }
0x69: {  	p0 =	sne.s32 s0, $0x0;
	_ =	strace $0x90000047  }
0x6a: {  	s0 =	sadd.s32 @!p0 $0x100000, s2;
	[bflag:$0x2] =	sbarrier.arrive $0xFFFF  }
0x6b: {  	[sflag:s0] =	ssyncadd.tile.s32 @!p0 $0x1;
	_ =	shalt  }
.Lfunc_end2:
_tile_overlayer_lowered:
.L_overlay_start_2:
0x6c: {  	(tag) =	ssettag $0x2  }
0x6d: {  	s0 =	rddreg [dreg:$0x0];
	s2 =	stileid.u32  }
0x6e: {  	s1 =	rddreg [dreg:$0x1];
	p0 =	sne.s32 s2, $0x0  }
0x6f: {  	s3 =	rddreg [dreg:$0x2];
	[bflag:$0x3] =	sbarrier.arrive $0xFFFF;
	s2 =	simm.s32 @!p0 $0x1C05  }
0x70: {  	[timem:s3], [sflag:s2] =	dma.local @!p0 [hbm:s0], s1  }
0x71: {  	s0 =	simm.s32 @!p0 $0x5  }
0x72: {  	_ =	swait.ge @!p0 [sflag:s0], s1  }
0x73: {  	s1 =	ssub.s32 @!p0 $0x0, s1;
	[sflag:s0] =	ssyncset.done @!p0 $0x0  }
0x74: {  	[sflag:s0] =	ssyncadd.s32 @!p0 s1  }
0x75: {  	[bflag:$0x3] =	sbarrier.arrive $0xFFFF  }
0x76: {  	_ =	shalt  }

</sc_bundles>
